<compile_context>
chip_gen: v7x
topology: tpu7x:2x2x1
jax: 0.10.2.dev20260603
libtpu: 0.0.44.dev20260713+nightly
codegen_flags: <defaults>
</compile_context>

<pallas_src>
import functools

import jax
import jax.numpy as jnp
from jax import lax
from jax.experimental import pallas as pl
from jax.experimental.pallas import tpu as pltpu
from jax.experimental.pallas import tpu_sc as plsc

N = 50000
E = 800000
T = 800000
H = 64
MAXN = 4
NL = 16
NLAYERS = 4
MAXZ = 94
CUTOFF = 5.0
TB_CUTOFF = 4.0

NC = 2
NS = 16
NW = NC * NS

CH = 1000
CHP = 1008


def _swish(x):
    return x * jax.nn.sigmoid(x)


def _poly_cutoff(r, c):
    t = r / c
    f = 1.0 - 6.0 * t**5 + 15.0 * t**4 - 10.0 * t**3
    return jnp.where(r < c, f, 0.0)



GCH = 800
GCHP = 816


@functools.partial(jax.jit, static_argnames=("d",))
def _sc_gather(table, idx, d):
    b = idx.shape[0]
    total_chunks = -(-b // GCH)
    nchw = -(-total_chunks // NW)
    nchw += nchw % 2
    mesh = plsc.VectorSubcoreMesh(core_axis_name="c", subcore_axis_name="s")

    @functools.partial(
        pl.kernel,
        out_type=jax.ShapeDtypeStruct((b, d), table.dtype),
        mesh=mesh,
        compiler_params=pltpu.CompilerParams(use_tc_tiling_on_sc=False),
        scratch_types=[
            pltpu.VMEM((2, GCHP), jnp.int32),
            pltpu.VMEM((2, GCHP, d), table.dtype),
            pltpu.SemaphoreType.DMA,
            pltpu.SemaphoreType.DMA,
            pltpu.SemaphoreType.DMA,
            pltpu.SemaphoreType.DMA,
        ],
    )
    def k(table_hbm, idx_hbm, out_hbm, idx_v, rows_v, isem0, isem1,
          osem0, osem1):
        wid = lax.axis_index("s") * NC + lax.axis_index("c")
        isems = (isem0, isem1)
        osems = (osem0, osem1)
        for bb in range(2):
            idx_v[bb, pl.ds(GCHP - 16, 16)] = jnp.zeros((16,), jnp.int32)

        def cstart(i):
            return jnp.minimum((wid * nchw + i) * GCH, b - GCH)

        def issue_idx(i, bb):
            pltpu.async_copy(idx_hbm.at[pl.ds(cstart(i), GCH)],
                             idx_v.at[bb, pl.ds(0, GCH)], isems[bb])

        issue_idx(0, 0)
        issue_idx(1, 1)

        def body(j, carry):
            for bb in range(2):
                i = 2 * j + bb
                pltpu.make_async_copy(idx_hbm.at[pl.ds(0, GCH)],
                                      idx_v.at[bb, pl.ds(0, GCH)],
                                      isems[bb]).wait()
                @pl.when(i >= 2)
                def _():
                    pltpu.make_async_copy(rows_v.at[bb, pl.ds(0, GCH)],
                                          out_hbm.at[pl.ds(0, GCH)],
                                          osems[bb]).wait()
                pltpu.async_copy(table_hbm.at[idx_v.at[bb]], rows_v.at[bb],
                                 isems[bb]).wait()
                pltpu.async_copy(rows_v.at[bb, pl.ds(0, GCH)],
                                 out_hbm.at[pl.ds(cstart(i), GCH)], osems[bb])

                @pl.when(i + 2 < nchw)
                def _():
                    issue_idx(i + 2, bb)
            return carry

        lax.fori_loop(0, nchw // 2, body, 0)
        for bb in range(2):
            pltpu.make_async_copy(rows_v.at[bb, pl.ds(0, GCH)],
                                  out_hbm.at[pl.ds(0, GCH)], osems[bb]).wait()

    return k(table, idx)



SCH = 200
SCHP = 208


@functools.partial(jax.jit, static_argnames=("s_rows", "d", "schunk", "phases"))
def _sc_segsum(vals, idx, init, zrows, s_rows, d, schunk, phases):
    b = vals.shape[0]
    per_tile = b // NS
    nch = per_tile // SCH
    rpt = schunk // NS
    zr = zrows.shape[0]
    nz = rpt // zr
    mesh = plsc.VectorSubcoreMesh(core_axis_name="c", subcore_axis_name="s")
    have_init = init is not None
    in_args = (vals, idx) + ((init,) if have_init else (zrows,))

    @functools.partial(
        pl.kernel,
        out_type=jax.ShapeDtypeStruct((s_rows, d), jnp.float32),
        mesh=mesh,
        compiler_params=pltpu.CompilerParams(use_tc_tiling_on_sc=False),
        scratch_types=[
            pltpu.VMEM((2, SCHP), jnp.int32),
            pltpu.VMEM((SCHP,), jnp.int32),
            pltpu.VMEM((2, SCHP, d), jnp.float32),
            pltpu.VMEM_SHARED((schunk + 16, d), jnp.float32),
            pltpu.SemaphoreType.DMA,
            pltpu.SemaphoreType.DMA,
        ],
    )
    def k(vals_hbm, idx_hbm, src_hbm, out_hbm, idx_v, idx2_v, vals_v, acc,
          sem0, sem1):
        c = lax.axis_index("c")
        s = lax.axis_index("s")
        sems = (sem0, sem1)
        for bb in range(2):
            idx_v[bb, pl.ds(SCHP - 16, 16)] = jnp.full((16,), -1, jnp.int32)

        def issue(i, bb):
            start = s * per_tile + i * SCH
            pltpu.async_copy(idx_hbm.at[pl.ds(start, SCH)],
                             idx_v.at[bb, pl.ds(0, SCH)], sems[bb])
            pltpu.async_copy(vals_hbm.at[pl.ds(start, SCH)],
                             vals_v.at[bb, pl.ds(0, SCH)], sems[bb])

        def drain(bb):
            pltpu.make_async_copy(idx_hbm.at[pl.ds(0, SCH)],
                                  idx_v.at[bb, pl.ds(0, SCH)], sems[bb]).wait()
            pltpu.make_async_copy(vals_hbm.at[pl.ds(0, SCH)],
                                  vals_v.at[bb, pl.ds(0, SCH)], sems[bb]).wait()

        for p in range(phases):
            gb = (p * NC + c) * schunk
            if have_init:
                start = jnp.minimum(gb + s * rpt, s_rows - rpt)
                pltpu.sync_copy(src_hbm.at[pl.ds(start, rpt)],
                                acc.at[pl.ds(start - gb, rpt)])
            else:
                for z in range(nz):
                    pltpu.sync_copy(src_hbm,
                                    acc.at[pl.ds(s * rpt + z * zr, zr)])
            plsc.subcore_barrier()

            issue(0, 0)
            issue(1, 1)

            def body(j, carry):
                for bb in range(2):
                    i = 2 * j + bb
                    drain(bb)
                    for g in range(SCHP // 16):
                        v = idx_v[bb, pl.ds(g * 16, 16)]
                        loc = v - gb
                        ok = (loc >= 0) & (loc < schunk)
                        idx2_v[pl.ds(g * 16, 16)] = jnp.where(ok, loc, schunk)
                    pltpu.sync_copy(vals_v.at[bb], acc.at[idx2_v], add=True)

                    @pl.when(i + 2 < nch)
                    def _():
                        issue(i + 2, bb)
                return carry

            lax.fori_loop(0, nch // 2, body, 0)
            plsc.subcore_barrier()

            @pl.when(gb < s_rows)
            def _():
                start = jnp.minimum(gb + s * rpt, s_rows - rpt)
                pltpu.sync_copy(acc.at[pl.ds(start - gb, rpt)],
                                out_hbm.at[pl.ds(start, rpt)])
            plsc.subcore_barrier()

    return k(*in_args)


def _chain(tok, arr):
    arr2, _ = lax.optimization_barrier((arr, tok))
    return arr2



def _grid_call(body, nouts, out_cols, rows, rblk, ins, in_cols):
    grid = rows // rblk
    in_specs = []
    for a, c in zip(ins, in_cols):
        if c is None:
            in_specs.append(pl.BlockSpec(a.shape, lambda i, nd=a.ndim: (0,) * nd))
        else:
            in_specs.append(pl.BlockSpec((rblk, c), lambda i: (i, 0)))
    out_specs = [pl.BlockSpec((rblk, c), lambda i: (i, 0)) for c in out_cols]
    out_shape = [jax.ShapeDtypeStruct((rows, c), jnp.float32) for c in out_cols]
    if nouts == 1:
        out_specs, out_shape = out_specs[0], out_shape[0]
    return pl.pallas_call(
        body, grid=(grid,), in_specs=in_specs,
        out_specs=out_specs, out_shape=out_shape,
    )(*ins)


def _edge_init_body(dist_ref, wenc_ref, rbf_ref, e0_ref):
    d = dist_ref[...]
    narr = jnp.arange(1, MAXN + 1).astype(jnp.float32)
    rbf = jnp.sqrt(2.0 / CUTOFF) * jnp.sin(narr[None, :] * jnp.pi * d / CUTOFF) / d
    rbf_ref[...] = rbf
    e0_ref[...] = _swish(jnp.dot(rbf, wenc_ref[...],
                                 preferred_element_type=jnp.float32))


def _triple_basis_body(vd0_ref, vd1_ref, out_ref):
    vd0 = vd0_ref[...]
    vd1 = vd1_ref[...]
    rij = vd0[:, 3:4]
    rik = vd1[:, 3:4]
    dot = jnp.sum(vd0[:, :3] * vd1[:, :3], axis=1, keepdims=True)
    ct = jnp.clip(dot / (rij * rik), -1.0 + 1e-07, 1.0 - 1e-07)
    narr = jnp.arange(1, MAXN + 1).astype(jnp.float32)
    sb = jnp.sin(narr[None, :] * jnp.pi * rik / TB_CUTOFF) / rik
    fc = _poly_cutoff(rij, TB_CUTOFF) * _poly_cutoff(rik, TB_CUTOFF)
    p0 = jnp.ones_like(ct)
    p1 = ct
    p2 = 0.5 * (3.0 * ct * ct - 1.0)
    p3 = 0.5 * (5.0 * ct * ct * ct - 3.0 * ct)
    sbf = sb * fc
    out_ref[...] = jnp.concatenate(
        [p0 * sbf, p1 * sbf, p2 * sbf, p3 * sbf], axis=1)


def _gate_body(x_ref, wa_ref, ba_ref, out_ref):
    out_ref[...] = jax.nn.sigmoid(
        jnp.dot(x_ref[...], wa_ref[...], preferred_element_type=jnp.float32)
        + ba_ref[...])


def _mul_body(a_ref, b_ref, out_ref):
    out_ref[...] = a_ref[...] * b_ref[...]


def _layer_body(esum_ref, edge_ref, as_ref, at_ref, rbf_ref,
                w3m_ref, b3m_ref, w3g_ref, b3g_ref,
                we_ref, be_ref, weg_ref, beg_ref, wez_ref,
                wn_ref, bn_ref, wng_ref, bng_ref, wnz_ref,
                eout_ref, msg_ref):
    f32 = jnp.float32
    esum = esum_ref[...]
    a_s = as_ref[...]
    a_t = at_ref[...]
    rbf = rbf_ref[...]
    m3 = jnp.dot(esum, w3m_ref[...], preferred_element_type=f32) + b3m_ref[...]
    g3 = jnp.dot(esum, w3g_ref[...], preferred_element_type=f32) + b3g_ref[...]
    e1 = edge_ref[...] + _swish(m3) * jax.nn.sigmoid(g3)

    we = we_ref[...]
    weg = weg_ref[...]
    m = (jnp.dot(a_s, we[0:H], preferred_element_type=f32)
         + jnp.dot(a_t, we[H:2 * H], preferred_element_type=f32)
         + jnp.dot(e1, we[2 * H:3 * H], preferred_element_type=f32)
         + be_ref[...])
    g = (jnp.dot(a_s, weg[0:H], preferred_element_type=f32)
         + jnp.dot(a_t, weg[H:2 * H], preferred_element_type=f32)
         + jnp.dot(e1, weg[2 * H:3 * H], preferred_element_type=f32)
         + beg_ref[...])
    rz = jnp.dot(rbf, wez_ref[...], preferred_element_type=f32)
    e2 = e1 + _swish(m) * jax.nn.sigmoid(g) * rz
    eout_ref[...] = e2

    wn = wn_ref[...]
    wng = wng_ref[...]
    m2 = (jnp.dot(a_s, wn[0:H], preferred_element_type=f32)
          + jnp.dot(a_t, wn[H:2 * H], preferred_element_type=f32)
          + jnp.dot(e2, wn[2 * H:3 * H], preferred_element_type=f32)
          + bn_ref[...])
    g2 = (jnp.dot(a_s, wng[0:H], preferred_element_type=f32)
          + jnp.dot(a_t, wng[H:2 * H], preferred_element_type=f32)
          + jnp.dot(e2, wng[2 * H:3 * H], preferred_element_type=f32)
          + bng_ref[...])
    rz2 = jnp.dot(rbf, wnz_ref[...], preferred_element_type=f32)
    msg_ref[...] = _swish(m2) * jax.nn.sigmoid(g2) * rz2


def _head_body(x_ref, wm_ref, bm_ref, wg_ref, bg_ref, out_ref):
    f32 = jnp.float32
    m = x_ref[...]
    g = m
    wm = wm_ref[...]
    bm = bm_ref[...]
    wg = wg_ref[...]
    bg = bg_ref[...]
    for i in range(3):
        m = jnp.dot(m, wm[i], preferred_element_type=f32) + bm[i:i + 1, :]
        g = jnp.dot(g, wg[i], preferred_element_type=f32) + bg[i:i + 1, :]
        if i < 2:
            m = _swish(m)
            g = _swish(g)
    out_ref[...] = m * jax.nn.sigmoid(g)



RB_E = 1600
RB_N = 2000

SCHUNK_N = 16 * 1568
SCHUNK_E = 16 * 7000
PHASES_E = 4


def kernel(atomic_numbers, a2a_edge_index, a2a_distance, a2a_vector,
           a2ee2a_edge_index, a2ee2a_distance, params):
    del a2ee2a_distance
    p = params
    idx_s = a2a_edge_index[0].astype(jnp.int32)
    idx_t = a2a_edge_index[1].astype(jnp.int32)
    tb0 = a2ee2a_edge_index[0].astype(jnp.int32)
    tb1 = a2ee2a_edge_index[1].astype(jnp.int32)
    dist = a2a_distance.reshape(E, 1)
    table8 = jnp.concatenate(
        [a2a_vector, dist,
         idx_s.astype(jnp.float32).reshape(E, 1),
         jnp.zeros((E, 3), jnp.float32)], axis=1)

    zrows_e = jnp.zeros((SCHUNK_E // NS, NL), jnp.float32)
    zrows_n = jnp.zeros((8, H), jnp.float32)

    rbf, edge_attr = _grid_call(_edge_init_body, 2, (MAXN, H), E, RB_E,
                                (dist, p['Wenc']), (1, None))
    vd0 = _sc_gather(table8, tb0, 8)
    vd1 = _sc_gather(table8, _chain(vd0, tb1), 8)
    ci = vd1[:, 4].astype(jnp.int32)
    tbfc = _grid_call(_triple_basis_body, 1, (NL,), T, RB_E,
                      (vd0, vd1), (8, 8))
    atom_attr = _sc_gather(p['Wemb'],
                           _chain(vd1, atomic_numbers.astype(jnp.int32)), H)

    for l in range(NLAYERS):
        gate = _grid_call(_gate_body, 1, (NL,), N, RB_N,
                          (atom_attr, p['Wa'][l], p['ba'][l].reshape(1, NL)),
                          (H, None, None))
        gate_t = _sc_gather(gate, _chain(atom_attr, ci), NL)
        weighted = _grid_call(_mul_body, 1, (NL,), T, RB_E,
                              (tbfc, gate_t), (NL, NL))
        esum = _sc_segsum(weighted, tb0, None, zrows_e, E, NL,
                          SCHUNK_E, PHASES_E)
        a_s = _sc_gather(atom_attr, _chain(esum, idx_s), H)
        a_t = _sc_gather(atom_attr, _chain(a_s, idx_t), H)
        edge_attr, msg = _grid_call(
            _layer_body, 2, (H, H), E, RB_E,
            (esum, edge_attr, a_s, a_t, rbf,
             p['W3m'][l], p['b3m'][l].reshape(1, H),
             p['W3g'][l], p['b3g'][l].reshape(1, H),
             p['We'][l], p['be'][l].reshape(1, H),
             p['Weg'][l], p['beg'][l].reshape(1, H), p['Wez'][l],
             p['Wn'][l], p['bn'][l].reshape(1, H),
             p['Wng'][l], p['bng'][l].reshape(1, H), p['Wnz'][l]),
            (NL, H, H, H, MAXN) + (None,) * 14)
        atom_attr = _sc_segsum(msg, idx_t, atom_attr, zrows_n, N, H,
                               SCHUNK_N, 1)

    x_e = _grid_call(_head_body, 1, (H,), N, RB_N,
                     (atom_attr, p['WEm'], p['bEm'], p['WEg'], p['bEg']),
                     (H, None, None, None, None))
    x_f = _grid_call(_head_body, 1, (H,), E, RB_E,
                     (edge_attr, p['WFm'], p['bFm'], p['WFg'], p['bFg']),
                     (H, None, None, None, None))
    return (atom_attr, edge_attr, x_e, x_f)

# --- scband reference (transcript-rebuilt; emitter-appended) ---
"""Pipeline reference for scband-m3-gnet-74371653697920 (READ-ONLY COPY).

The authoritative reference and input builder live on the scoring server;
editing this copy changes nothing except your own understanding.
"""

import jax, jax.numpy as jnp
import numpy as np

N = 50000
E = 800000
T = 800000
H = 64
MAXN = 4
MAXL = 4
NL = 16
NLAYERS = 4
MAXZ = 94
CUTOFF = 5.0
TB_CUTOFF = 4.0


def swish(x):
    return x * jax.nn.sigmoid(x)


def _poly_cutoff(r, c):
    t = r / c
    f = 1.0 - 6.0 * t**5 + 15.0 * t**4 - 10.0 * t**3
    return jnp.where(r < c, f, 0.0)


def setup_inputs(seed: int = 0) -> dict:
    key = jax.random.key(seed)
    ks = jax.random.split(key, 32)
    atomic_numbers = jax.random.randint(ks[0], (N,), 0, MAXZ + 1)
    a2a_edge_index = jax.random.randint(ks[1], (2, E), 0, N)
    a2a_distance = jax.random.uniform(ks[2], (E,), minval=0.5, maxval=CUTOFF, dtype=jnp.float32)
    a2a_vector = jax.random.normal(ks[3], (E, 3), dtype=jnp.float32)
    a2ee2a_edge_index = jax.random.randint(ks[4], (2, T), 0, E)
    a2ee2a_distance = jax.random.uniform(ks[5], (T,), minval=0.5, maxval=TB_CUTOFF, dtype=jnp.float32)

    def w(k, shape):
        fan_in = shape[-2] if len(shape) >= 2 else shape[-1]
        return (jax.random.normal(k, shape, dtype=jnp.float32) / np.sqrt(fan_in)).astype(jnp.float32)

    params = {
        'Wemb': jax.random.uniform(ks[6], (MAXZ + 1, H), minval=-0.05, maxval=0.05, dtype=jnp.float32),
        'Wenc': w(ks[7], (MAXN, H)),
        'Wa': w(ks[8], (NLAYERS, H, NL)), 'ba': jnp.zeros((NLAYERS, NL), jnp.float32),
        'W3m': w(ks[9], (NLAYERS, NL, H)), 'b3m': jnp.zeros((NLAYERS, H), jnp.float32),
        'W3g': w(ks[10], (NLAYERS, NL, H)), 'b3g': jnp.zeros((NLAYERS, H), jnp.float32),
        'We': w(ks[11], (NLAYERS, 3 * H, H)), 'be': jnp.zeros((NLAYERS, H), jnp.float32),
        'Weg': w(ks[12], (NLAYERS, 3 * H, H)), 'beg': jnp.zeros((NLAYERS, H), jnp.float32),
        'Wez': w(ks[13], (NLAYERS, MAXN, H)),
        'Wn': w(ks[14], (NLAYERS, 3 * H, H)), 'bn': jnp.zeros((NLAYERS, H), jnp.float32),
        'Wng': w(ks[15], (NLAYERS, 3 * H, H)), 'bng': jnp.zeros((NLAYERS, H), jnp.float32),
        'Wnz': w(ks[16], (NLAYERS, MAXN, H)),
        'WEm': w(ks[17], (3, H, H)), 'bEm': jnp.zeros((3, H), jnp.float32),
        'WEg': w(ks[18], (3, H, H)), 'bEg': jnp.zeros((3, H), jnp.float32),
        'WFm': w(ks[19], (3, H, H)), 'bFm': jnp.zeros((3, H), jnp.float32),
        'WFg': w(ks[20], (3, H, H)), 'bFg': jnp.zeros((3, H), jnp.float32),
    }
    return {'atomic_numbers': atomic_numbers, 'a2a_edge_index': a2a_edge_index,
            'a2a_distance': a2a_distance, 'a2a_vector': a2a_vector,
            'a2ee2a_edge_index': a2ee2a_edge_index, 'a2ee2a_distance': a2ee2a_distance,
            'params': params}


def _gated_head(x, Wm, bm, Wg, bg):
    m = x
    g = x
    for i in range(3):
        m = m @ Wm[i] + bm[i]
        g = g @ Wg[i] + bg[i]
        if i < 2:
            m = swish(m)
            g = swish(g)
    return m * jax.nn.sigmoid(g)


def _forward(a2a_distance, a2a_vector, a2ee2a_distance, params, atomic_numbers, a2a_edge_index, a2ee2a_edge_index):
    idx_s = a2a_edge_index[0]
    idx_t = a2a_edge_index[1]
    tb0 = a2ee2a_edge_index[0]
    tb1 = a2ee2a_edge_index[1]
    num_triple_ij = jnp.bincount(tb0, length=E)
    vij = a2a_vector[tb0]
    vik = a2a_vector[tb1]
    rij = a2a_distance[tb0]
    rik = a2a_distance[tb1]
    cos_jik = jnp.sum(vij * vik, axis=1) / (rij * rik)
    cos_jik = jnp.clip(cos_jik, -1.0 + 1e-07, 1.0 - 1e-07)
    theta = jnp.arccos(cos_jik)
    ct = jnp.cos(theta)
    n_arr = jnp.arange(1, MAXN + 1, dtype=jnp.float32)
    # SmoothBesselBasis (spherical Bessel j0-type radial basis)
    rbf = jnp.sqrt(2.0 / CUTOFF) * jnp.sin(n_arr[None, :] * jnp.pi * a2a_distance[:, None] / CUTOFF) / a2a_distance[:, None]
    edge_attr_zero = rbf
    edge_attr = swish(rbf @ params['Wenc'])
    # SphericalBasisLayer: radial Bessel x Legendre(cos theta)
    sb_rad = jnp.sin(n_arr[None, :] * jnp.pi * rik[:, None] / TB_CUTOFF) / rik[:, None]
    P = jnp.stack([jnp.ones_like(ct), ct, 0.5 * (3.0 * ct**2 - 1.0), 0.5 * (5.0 * ct**3 - 3.0 * ct)], axis=1)
    three_basis = (P[:, :, None] * sb_rad[:, None, :]).reshape(-1, NL)
    fc = _poly_cutoff(rij, TB_CUTOFF) * _poly_cutoff(rik, TB_CUTOFF)
    atom_attr = jnp.take(params['Wemb'], atomic_numbers, axis=0)  # one_hot @ W == row gather
    for l in range(NLAYERS):
        # three-body interaction: sigmoid atom gate gathered edge->triple, scatter-add to edges
        gate = jax.nn.sigmoid(atom_attr @ params['Wa'][l] + params['ba'][l])
        gate_t = gate[idx_s][tb1]
        weighted = three_basis * gate_t * fc[:, None]
        e_sum = jax.ops.segment_sum(weighted, tb0, num_segments=E)
        edge_attr = edge_attr + swish(e_sum @ params['W3m'][l] + params['b3m'][l]) * jax.nn.sigmoid(e_sum @ params['W3g'][l] + params['b3g'][l])
        # edge update (gated MLP on [v_s, v_t, e], modulated by rbf of r)
        feat = jnp.concatenate([atom_attr[idx_s], atom_attr[idx_t], edge_attr], axis=1)
        eu = swish(feat @ params['We'][l] + params['be'][l]) * jax.nn.sigmoid(feat @ params['Weg'][l] + params['beg'][l]) * (edge_attr_zero @ params['Wez'][l])
        edge_attr = edge_attr + eu
        # node update: messages scatter-added to target nodes
        feat2 = jnp.concatenate([atom_attr[idx_s], atom_attr[idx_t], edge_attr], axis=1)
        msg = swish(feat2 @ params['Wn'][l] + params['bn'][l]) * jax.nn.sigmoid(feat2 @ params['Wng'][l] + params['bng'][l]) * (edge_attr_zero @ params['Wnz'][l])
        atom_attr = atom_attr + jax.ops.segment_sum(msg, idx_t, num_segments=N)
    X_e = _gated_head(atom_attr, params['WEm'], params['bEm'], params['WEg'], params['bEg'])
    X_f = _gated_head(edge_attr, params['WFm'], params['bFm'], params['WFg'], params['bFg'])
    return X_e, X_f, atom_attr, edge_attr, num_triple_ij


def reference(atomic_numbers, a2a_edge_index, a2a_distance, a2a_vector, a2ee2a_edge_index, a2ee2a_distance, params):
    X_e, X_f, atom_attr, edge_attr, _ = _forward(a2a_distance, a2a_vector, a2ee2a_distance, params, atomic_numbers, a2a_edge_index, a2ee2a_edge_index)
    return (atom_attr, edge_attr, X_e, X_f)

if __name__ == "__main__":
    import jax
    _d = setup_inputs()
    print(jax.jit(kernel)(*tuple(_d.values())))

</pallas_src>

<mosaic_0001>
#map = affine_map<(d0, d1) -> (0, 0)>
#map1 = affine_map<(d0, d1) -> (0)>
module attributes {stable_mosaic.version = 14 : i64} {
  func.func @k(%arg0: i32, %arg1: i32, %arg2: memref<800000x8xf32, #tpu.memory_space<hbm>>, %arg3: memref<800000xi32, #tpu.memory_space<hbm>>, %arg4: memref<800000x8xf32, #tpu.memory_space<hbm>>, %arg5: memref<2x816xi32, #tpu.memory_space<vmem>>, %arg6: memref<2x816x8xf32, #tpu.memory_space<vmem>>, %arg7: memref<!tpu.dma_semaphore, #tpu.memory_space<semaphore_mem>>, %arg8: memref<!tpu.dma_semaphore, #tpu.memory_space<semaphore_mem>>, %arg9: memref<!tpu.dma_semaphore, #tpu.memory_space<semaphore_mem>>, %arg10: memref<!tpu.dma_semaphore, #tpu.memory_space<semaphore_mem>>) attributes {dimension_semantics = [#tpu.dimension_semantics<core_parallel>, #tpu.dimension_semantics<subcore_parallel>], iteration_bounds = array<i64: 2, 16>, scalar_prefetch = 0 : i64, scratch_operands = 6 : i64, tpu.core_type = #tpu.core_type<sc_vector_subcore>, window_params = [{transform_indices = #map}, {transform_indices = #map1}, {transform_indices = #map}]} {
    %mul3A = arith.constant 2 : i32
    %mul3A_0 = arith.muli %arg1, %mul3A : i32
    %add3A = arith.addi %mul3A_0, %arg0 : i32
    %broadcast_in_dim3A = arith.constant 0 : i32
    %broadcast_in_dim3A_1 = vector.broadcast %broadcast_in_dim3A : i32 to vector<16xi32>
    %swap3A = arith.constant 0 : i32
    %swap3A_2 = arith.index_cast %swap3A : i32 to index
    %swap3A_3 = arith.constant 800 : index
    %swap3A_4 = tpu.vector_load %arg5[%swap3A_2, %swap3A_3] {strides = array<i32>} : memref<2x816xi32, #tpu.memory_space<vmem>>, vector<1x16xi32>,
    %swap3A_5 = vector.shape_cast %swap3A_4 : vector<1x16xi32> to vector<16xi32>
    %swap3A_6 = vector.shape_cast %broadcast_in_dim3A_1 : vector<16xi32> to vector<1x16xi32>
    tpu.vector_store %arg5[%swap3A_2, %swap3A_3], %swap3A_6 {strides = array<i32>} : memref<2x816xi32, #tpu.memory_space<vmem>>, vector<1x16xi32>,
    %broadcast_in_dim3A_7 = arith.constant 0 : i32
    %broadcast_in_dim3A_8 = vector.broadcast %broadcast_in_dim3A_7 : i32 to vector<16xi32>
    %swap3A_9 = arith.constant 1 : i32
    %swap3A_10 = arith.index_cast %swap3A_9 : i32 to index
    %swap3A_11 = arith.constant 800 : index
    %swap3A_12 = tpu.vector_load %arg5[%swap3A_10, %swap3A_11] {strides = array<i32>} : memref<2x816xi32, #tpu.memory_space<vmem>>, vector<1x16xi32>,
    %swap3A_13 = vector.shape_cast %swap3A_12 : vector<1x16xi32> to vector<16xi32>
    %swap3A_14 = vector.shape_cast %broadcast_in_dim3A_8 : vector<16xi32> to vector<1x16xi32>
    tpu.vector_store %arg5[%swap3A_10, %swap3A_11], %swap3A_14 {strides = array<i32>} : memref<2x816xi32, #tpu.memory_space<vmem>>, vector<1x16xi32>,
    %mul3A_15 = arith.constant 32 : i32
    %mul3A_16 = arith.muli %add3A, %mul3A_15 : i32
    %add3A_17 = arith.constant 0 : i32
    %add3A_18 = arith.addi %mul3A_16, %add3A_17 : i32
    %mul3A_19 = arith.constant 800 : i32
    %mul3A_20 = arith.muli %add3A_18, %mul3A_19 : i32
    %min3A = arith.constant 799200 : i32
    %min3A_21 = arith.minsi %mul3A_20, %min3A : i32
    %dma_start3A = arith.constant 0 : i32
    %dma_start3A_22 = arith.constant 0 : i32
    %dma_start3A_23 = tpu.memref_slice %arg5[%dma_start3A, %dma_start3A_22] : memref<2x816xi32, #tpu.memory_space<vmem>> -> memref<1x800xi32, #tpu.memory_space<vmem>>
    %dma_start3A_24 = tpu.memref_squeeze %dma_start3A_23 : memref<1x800xi32, #tpu.memory_space<vmem>> -> memref<800xi32, #tpu.memory_space<vmem>>
    %dma_start3A_25 = tpu.memref_slice %arg3[%min3A_21] : memref<800000xi32, #tpu.memory_space<hbm>> -> memref<800xi32, #tpu.memory_space<hbm>>
    %dma_start3A_26 = arith.constant 0 : i32
    %dma_start3A_27 = tpu.memref_slice %arg5[%dma_start3A, %dma_start3A_26] : memref<2x816xi32, #tpu.memory_space<vmem>> -> memref<1x800xi32, #tpu.memory_space<vmem>>
    %dma_start3A_28 = tpu.memref_squeeze %dma_start3A_27 : memref<1x800xi32, #tpu.memory_space<vmem>> -> memref<800xi32, #tpu.memory_space<vmem>>
    %dma_start3A_29 = tpu.memref_slice %arg3[%min3A_21] : memref<800000xi32, #tpu.memory_space<hbm>> -> memref<800xi32, #tpu.memory_space<hbm>>
    tpu.enqueue_dma source(%dma_start3A_29 : memref<800xi32, #tpu.memory_space<hbm>>) target(%dma_start3A_28 : memref<800xi32, #tpu.memory_space<vmem>>) target_semaphore(%arg7 : memref<!tpu.dma_semaphore, #tpu.memory_space<semaphore_mem>>)
    %mul3A_30 = arith.constant 32 : i32
    %mul3A_31 = arith.muli %add3A, %mul3A_30 : i32
    %add3A_32 = arith.constant 1 : i32
    %add3A_33 = arith.addi %mul3A_31, %add3A_32 : i32
    %mul3A_34 = arith.constant 800 : i32
    %mul3A_35 = arith.muli %add3A_33, %mul3A_34 : i32
    %min3A_36 = arith.constant 799200 : i32
    %min3A_37 = arith.minsi %mul3A_35, %min3A_36 : i32
    %dma_start3A_38 = arith.constant 1 : i32
    %dma_start3A_39 = arith.constant 0 : i32
    %dma_start3A_40 = tpu.memref_slice %arg5[%dma_start3A_38, %dma_start3A_39] : memref<2x816xi32, #tpu.memory_space<vmem>> -> memref<1x800xi32, #tpu.memory_space<vmem>>
    %dma_start3A_41 = tpu.memref_squeeze %dma_start3A_40 : memref<1x800xi32, #tpu.memory_space<vmem>> -> memref<800xi32, #tpu.memory_space<vmem>>
    %dma_start3A_42 = tpu.memref_slice %arg3[%min3A_37] : memref<800000xi32, #tpu.memory_space<hbm>> -> memref<800xi32, #tpu.memory_space<hbm>>
    %dma_start3A_43 = arith.constant 0 : i32
    %dma_start3A_44 = tpu.memref_slice %arg5[%dma_start3A_38, %dma_start3A_43] : memref<2x816xi32, #tpu.memory_space<vmem>> -> memref<1x800xi32, #tpu.memory_space<vmem>>
    %dma_start3A_45 = tpu.memref_squeeze %dma_start3A_44 : memref<1x800xi32, #tpu.memory_space<vmem>> -> memref<800xi32, #tpu.memory_space<vmem>>
    %dma_start3A_46 = tpu.memref_slice %arg3[%min3A_37] : memref<800000xi32, #tpu.memory_space<hbm>> -> memref<800xi32, #tpu.memory_space<hbm>>
    tpu.enqueue_dma source(%dma_start3A_46 : memref<800xi32, #tpu.memory_space<hbm>>) target(%dma_start3A_45 : memref<800xi32, #tpu.memory_space<vmem>>) target_semaphore(%arg8 : memref<!tpu.dma_semaphore, #tpu.memory_space<semaphore_mem>>)
    %scan3A = arith.constant 0 : i32
    %scan3A_47 = arith.constant 0 : i32
    %scan3A_48 = arith.constant 16 : i32
    %scan3A_49 = arith.addi %scan3A_47, %scan3A_48 : i32
    %scan3A_50 = arith.constant 1 : i32
    scf.for %scan3A_81 = %scan3A_47 to %scan3A_49 step %scan3A_50  : i32 {
      %mul3A_82 = arith.constant 2 : i32
      %mul3A_83 = arith.muli %mul3A_82, %scan3A_81 : i32
      %add3A_84 = arith.constant 0 : i32
      %add3A_85 = arith.addi %mul3A_83, %add3A_84 : i32
      %dma_wait3A_86 = arith.constant 0 : i32
      %dma_wait3A_87 = arith.constant 0 : i32
      %dma_wait3A_88 = tpu.memref_slice %arg5[%dma_wait3A_86, %dma_wait3A_87] : memref<2x816xi32, #tpu.memory_space<vmem>> -> memref<1x800xi32, #tpu.memory_space<vmem>>
      %dma_wait3A_89 = tpu.memref_squeeze %dma_wait3A_88 : memref<1x800xi32, #tpu.memory_space<vmem>> -> memref<800xi32, #tpu.memory_space<vmem>>
      %dma_wait3A_90 = arith.constant 0 : i32
      %dma_wait3A_91 = tpu.memref_slice %arg3[%dma_wait3A_90] : memref<800000xi32, #tpu.memory_space<hbm>> -> memref<800xi32, #tpu.memory_space<hbm>>
      %dma_wait3A_92 = arith.constant 0 : i32
      %dma_wait3A_93 = tpu.memref_slice %arg5[%dma_wait3A_86, %dma_wait3A_92] : memref<2x816xi32, #tpu.memory_space<vmem>> -> memref<1x800xi32, #tpu.memory_space<vmem>>
      %dma_wait3A_94 = tpu.memref_squeeze %dma_wait3A_93 : memref<1x800xi32, #tpu.memory_space<vmem>> -> memref<800xi32, #tpu.memory_space<vmem>>
      %dma_wait3A_95 = arith.constant 0 : i32
      %dma_wait3A_96 = tpu.memref_slice %arg3[%dma_wait3A_95] : memref<800000xi32, #tpu.memory_space<hbm>> -> memref<800xi32, #tpu.memory_space<hbm>>
      tpu.wait_dma2 semaphore(%arg7 : memref<!tpu.dma_semaphore, #tpu.memory_space<semaphore_mem>>) src(%dma_wait3A_96 : memref<800xi32, #tpu.memory_space<hbm>>) dst(%dma_wait3A_94 : memref<800xi32, #tpu.memory_space<vmem>>)
      %ge3A = arith.constant 2 : i32
      %ge3A_97 = arith.cmpi sge, %add3A_85, %ge3A : i32
      %convert_element_type3A = arith.extui %ge3A_97 : i1 to i32
      %cond3A = arith.constant 0 : i32
      %cond3A_98 = arith.cmpi ne, %convert_element_type3A, %cond3A : i32
      scf.if %cond3A_98 {
        %dma_wait3A_220 = arith.constant 0 : i32
        %dma_wait3A_221 = arith.constant 0 : i32
        %dma_wait3A_222 = arith.constant 0 : i32
        %dma_wait3A_223 = tpu.memref_slice %arg6[%dma_wait3A_220, %dma_wait3A_221, %dma_wait3A_222] : memref<2x816x8xf32, #tpu.memory_space<vmem>> -> memref<1x800x8xf32, #tpu.memory_space<vmem>>
        %dma_wait3A_224 = tpu.memref_squeeze %dma_wait3A_223 : memref<1x800x8xf32, #tpu.memory_space<vmem>> -> memref<800x8xf32, #tpu.memory_space<vmem>>
        %dma_wait3A_225 = arith.constant 0 : i32
        %dma_wait3A_226 = arith.constant 0 : i32
        %dma_wait3A_227 = tpu.memref_slice %arg4[%dma_wait3A_225, %dma_wait3A_226] : memref<800000x8xf32, #tpu.memory_space<hbm>> -> memref<800x8xf32, #tpu.memory_space<hbm>>
        %dma_wait3A_228 = arith.constant 0 : i32
        %dma_wait3A_229 = arith.constant 0 : i32
        %dma_wait3A_230 = tpu.memref_slice %arg4[%dma_wait3A_228, %dma_wait3A_229] : memref<800000x8xf32, #tpu.memory_space<hbm>> -> memref<800x8xf32, #tpu.memory_space<hbm>>
        %dma_wait3A_231 = arith.constant 0 : i32
        %dma_wait3A_232 = arith.constant 0 : i32
        %dma_wait3A_233 = tpu.memref_slice %arg6[%dma_wait3A_220, %dma_wait3A_231, %dma_wait3A_232] : memref<2x816x8xf32, #tpu.memory_space<vmem>> -> memref<1x800x8xf32, #tpu.memory_space<vmem>>
        %dma_wait3A_234 = tpu.memref_squeeze %dma_wait3A_233 : memref<1x800x8xf32, #tpu.memory_space<vmem>> -> memref<800x8xf32, #tpu.memory_space<vmem>>
        tpu.wait_dma2 semaphore(%arg9 : memref<!tpu.dma_semaphore, #tpu.memory_space<semaphore_mem>>) src(%dma_wait3A_234 : memref<800x8xf32, #tpu.memory_space<vmem>>) dst(%dma_wait3A_230 : memref<800x8xf32, #tpu.memory_space<hbm>>)
      } else {
      }
      %dma_start3A_99 = arith.constant 0 : i32
      %dma_start3A_100 = arith.constant 0 : i32
      %dma_start3A_101 = arith.constant 0 : i32
      %dma_start3A_102 = arith.constant 0 : i32
      %dma_start3A_103 = tpu.memref_slice %arg6[%dma_start3A_100, %dma_start3A_101, %dma_start3A_102] : memref<2x816x8xf32, #tpu.memory_space<vmem>> -> memref<1x816x8xf32, #tpu.memory_space<vmem>>
      %dma_start3A_104 = tpu.memref_squeeze %dma_start3A_103 : memref<1x816x8xf32, #tpu.memory_space<vmem>> -> memref<816x8xf32, #tpu.memory_space<vmem>>
      %dma_start3A_105 = arith.constant 0 : i32
      %dma_start3A_106 = tpu.memref_slice %arg5[%dma_start3A_99, %dma_start3A_105] : memref<2x816xi32, #tpu.memory_space<vmem>> -> memref<1x816xi32, #tpu.memory_space<vmem>>
      %dma_start3A_107 = tpu.memref_squeeze %dma_start3A_106 : memref<1x816xi32, #tpu.memory_space<vmem>> -> memref<816xi32, #tpu.memory_space<vmem>>
      %dma_start3A_108 = arith.constant 0 : i32
      %dma_start3A_109 = arith.constant 0 : i32
      %dma_start3A_110 = tpu.memref_slice %arg2[%dma_start3A_108, %dma_start3A_109] : memref<800000x8xf32, #tpu.memory_space<hbm>> -> memref<800000x8xf32, #tpu.memory_space<hbm>>
      tpu.enqueue_indirect_dma source(%dma_start3A_110 : memref<800000x8xf32, #tpu.memory_space<hbm>>) target(%dma_start3A_104 : memref<816x8xf32, #tpu.memory_space<vmem>>) offsets(%dma_start3A_107 : memref<816xi32, #tpu.memory_space<vmem>>) semaphore(%arg7 : memref<!tpu.dma_semaphore, #tpu.memory_space<semaphore_mem>>)
      %dma_wait3A_111 = arith.constant 0 : i32
      %dma_wait3A_112 = arith.constant 0 : i32
      %dma_wait3A_113 = arith.constant 0 : i32
      %dma_wait3A_114 = arith.constant 0 : i32
      %dma_wait3A_115 = tpu.memref_slice %arg6[%dma_wait3A_112, %dma_wait3A_113, %dma_wait3A_114] : memref<2x816x8xf32, #tpu.memory_space<vmem>> -> memref<1x816x8xf32, #tpu.memory_space<vmem>>
      %dma_wait3A_116 = tpu.memref_squeeze %dma_wait3A_115 : memref<1x816x8xf32, #tpu.memory_space<vmem>> -> memref<816x8xf32, #tpu.memory_space<vmem>>
      %dma_wait3A_117 = arith.constant 0 : i32
      %dma_wait3A_118 = tpu.memref_slice %arg5[%dma_wait3A_111, %dma_wait3A_117] : memref<2x816xi32, #tpu.memory_space<vmem>> -> memref<1x816xi32, #tpu.memory_space<vmem>>
      %dma_wait3A_119 = tpu.memref_squeeze %dma_wait3A_118 : memref<1x816xi32, #tpu.memory_space<vmem>> -> memref<816xi32, #tpu.memory_space<vmem>>
      %dma_wait3A_120 = arith.constant 0 : i32
      %dma_wait3A_121 = arith.constant 0 : i32
      %dma_wait3A_122 = tpu.memref_slice %arg2[%dma_wait3A_120, %dma_wait3A_121] : memref<800000x8xf32, #tpu.memory_space<hbm>> -> memref<800000x8xf32, #tpu.memory_space<hbm>>
      tpu.wait_indirect_dma semaphore(%arg7 : memref<!tpu.dma_semaphore, #tpu.memory_space<semaphore_mem>>) src(%dma_wait3A_122 : memref<800000x8xf32, #tpu.memory_space<hbm>>) dst(%dma_wait3A_116 : memref<816x8xf32, #tpu.memory_space<vmem>>)
      %mul3A_123 = arith.constant 32 : i32
      %mul3A_124 = arith.muli %add3A, %mul3A_123 : i32
      %add3A_125 = arith.addi %mul3A_124, %add3A_85 : i32
      %mul3A_126 = arith.constant 800 : i32
      %mul3A_127 = arith.muli %add3A_125, %mul3A_126 : i32
      %min3A_128 = arith.constant 799200 : i32
      %min3A_129 = arith.minsi %mul3A_127, %min3A_128 : i32
      %dma_start3A_130 = arith.constant 0 : i32
      %dma_start3A_131 = arith.constant 0 : i32
      %dma_start3A_132 = arith.constant 0 : i32
      %dma_start3A_133 = tpu.memref_slice %arg6[%dma_start3A_130, %dma_start3A_131, %dma_start3A_132] : memref<2x816x8xf32, #tpu.memory_space<vmem>> -> memref<1x800x8xf32, #tpu.memory_space<vmem>>
      %dma_start3A_134 = tpu.memref_squeeze %dma_start3A_133 : memref<1x800x8xf32, #tpu.memory_space<vmem>> -> memref<800x8xf32, #tpu.memory_space<vmem>>
      %dma_start3A_135 = arith.constant 0 : i32
      %dma_start3A_136 = tpu.memref_slice %arg4[%min3A_129, %dma_start3A_135] : memref<800000x8xf32, #tpu.memory_space<hbm>> -> memref<800x8xf32, #tpu.memory_space<hbm>>
      %dma_start3A_137 = arith.constant 0 : i32
      %dma_start3A_138 = tpu.memref_slice %arg4[%min3A_129, %dma_start3A_137] : memref<800000x8xf32, #tpu.memory_space<hbm>> -> memref<800x8xf32, #tpu.memory_space<hbm>>
      %dma_start3A_139 = arith.constant 0 : i32
      %dma_start3A_140 = arith.constant 0 : i32
      %dma_start3A_141 = tpu.memref_slice %arg6[%dma_start3A_130, %dma_start3A_139, %dma_start3A_140] : memref<2x816x8xf32, #tpu.memory_space<vmem>> -> memref<1x800x8xf32, #tpu.memory_space<vmem>>
      %dma_start3A_142 = tpu.memref_squeeze %dma_start3A_141 : memref<1x800x8xf32, #tpu.memory_space<vmem>> -> memref<800x8xf32, #tpu.memory_space<vmem>>
      tpu.enqueue_dma source(%dma_start3A_142 : memref<800x8xf32, #tpu.memory_space<vmem>>) target(%dma_start3A_138 : memref<800x8xf32, #tpu.memory_space<hbm>>) target_semaphore(%arg9 : memref<!tpu.dma_semaphore, #tpu.memory_space<semaphore_mem>>)
      %add3A_143 = arith.constant 2 : i32
      %add3A_144 = arith.addi %add3A_85, %add3A_143 : i32
      %lt3A = arith.constant 32 : i32
      %lt3A_145 = arith.cmpi slt, %add3A_144, %lt3A : i32
      %convert_element_type3A_146 = arith.extui %lt3A_145 : i1 to i32
      %cond3A_147 = arith.constant 0 : i32
      %cond3A_148 = arith.cmpi ne, %convert_element_type3A_146, %cond3A_147 : i32
      scf.if %cond3A_148 {
        %add3A_220 = arith.constant 2 : i32
        %add3A_221 = arith.addi %add3A_85, %add3A_220 : i32
        %mul3A_222 = arith.constant 32 : i32
        %mul3A_223 = arith.muli %add3A, %mul3A_222 : i32
        %add3A_224 = arith.addi %mul3A_223, %add3A_221 : i32
        %mul3A_225 = arith.constant 800 : i32
        %mul3A_226 = arith.muli %add3A_224, %mul3A_225 : i32
        %min3A_227 = arith.constant 799200 : i32
        %min3A_228 = arith.minsi %mul3A_226, %min3A_227 : i32
        %dma_start3A_229 = arith.constant 0 : i32
        %dma_start3A_230 = arith.constant 0 : i32
        %dma_start3A_231 = tpu.memref_slice %arg5[%dma_start3A_229, %dma_start3A_230] : memref<2x816xi32, #tpu.memory_space<vmem>> -> memref<1x800xi32, #tpu.memory_space<vmem>>
        %dma_start3A_232 = tpu.memref_squeeze %dma_start3A_231 : memref<1x800xi32, #tpu.memory_space<vmem>> -> memref<800xi32, #tpu.memory_space<vmem>>
        %dma_start3A_233 = tpu.memref_slice %arg3[%min3A_228] : memref<800000xi32, #tpu.memory_space<hbm>> -> memref<800xi32, #tpu.memory_space<hbm>>
        %dma_start3A_234 = arith.constant 0 : i32
        %dma_start3A_235 = tpu.memref_slice %arg5[%dma_start3A_229, %dma_start3A_234] : memref<2x816xi32, #tpu.memory_space<vmem>> -> memref<1x800xi32, #tpu.memory_space<vmem>>
        %dma_start3A_236 = tpu.memref_squeeze %dma_start3A_235 : memref<1x800xi32, #tpu.memory_space<vmem>> -> memref<800xi32, #tpu.memory_space<vmem>>
        %dma_start3A_237 = tpu.memref_slice %arg3[%min3A_228] : memref<800000xi32, #tpu.memory_space<hbm>> -> memref<800xi32, #tpu.memory_space<hbm>>
        tpu.enqueue_dma source(%dma_start3A_237 : memref<800xi32, #tpu.memory_space<hbm>>) target(%dma_start3A_236 : memref<800xi32, #tpu.memory_space<vmem>>) target_semaphore(%arg7 : memref<!tpu.dma_semaphore, #tpu.memory_space<semaphore_mem>>)
      } else {
      }
      %mul3A_149 = arith.constant 2 : i32
      %mul3A_150 = arith.muli %mul3A_149, %scan3A_81 : i32
      %add3A_151 = arith.constant 1 : i32
      %add3A_152 = arith.addi %mul3A_150, %add3A_151 : i32
      %dma_wait3A_153 = arith.constant 1 : i32
      %dma_wait3A_154 = arith.constant 0 : i32
      %dma_wait3A_155 = tpu.memref_slice %arg5[%dma_wait3A_153, %dma_wait3A_154] : memref<2x816xi32, #tpu.memory_space<vmem>> -> memref<1x800xi32, #tpu.memory_space<vmem>>
      %dma_wait3A_156 = tpu.memref_squeeze %dma_wait3A_155 : memref<1x800xi32, #tpu.memory_space<vmem>> -> memref<800xi32, #tpu.memory_space<vmem>>
      %dma_wait3A_157 = arith.constant 0 : i32
      %dma_wait3A_158 = tpu.memref_slice %arg3[%dma_wait3A_157] : memref<800000xi32, #tpu.memory_space<hbm>> -> memref<800xi32, #tpu.memory_space<hbm>>
      %dma_wait3A_159 = arith.constant 0 : i32
      %dma_wait3A_160 = tpu.memref_slice %arg5[%dma_wait3A_153, %dma_wait3A_159] : memref<2x816xi32, #tpu.memory_space<vmem>> -> memref<1x800xi32, #tpu.memory_space<vmem>>
      %dma_wait3A_161 = tpu.memref_squeeze %dma_wait3A_160 : memref<1x800xi32, #tpu.memory_space<vmem>> -> memref<800xi32, #tpu.memory_space<vmem>>
      %dma_wait3A_162 = arith.constant 0 : i32
      %dma_wait3A_163 = tpu.memref_slice %arg3[%dma_wait3A_162] : memref<800000xi32, #tpu.memory_space<hbm>> -> memref<800xi32, #tpu.memory_space<hbm>>
      tpu.wait_dma2 semaphore(%arg8 : memref<!tpu.dma_semaphore, #tpu.memory_space<semaphore_mem>>) src(%dma_wait3A_163 : memref<800xi32, #tpu.memory_space<hbm>>) dst(%dma_wait3A_161 : memref<800xi32, #tpu.memory_space<vmem>>)
      %ge3A_164 = arith.constant 2 : i32
      %ge3A_165 = arith.cmpi sge, %add3A_152, %ge3A_164 : i32
      %convert_element_type3A_166 = arith.extui %ge3A_165 : i1 to i32
      %cond3A_167 = arith.constant 0 : i32
      %cond3A_168 = arith.cmpi ne, %convert_element_type3A_166, %cond3A_167 : i32
      scf.if %cond3A_168 {
        %dma_wait3A_220 = arith.constant 1 : i32
        %dma_wait3A_221 = arith.constant 0 : i32
        %dma_wait3A_222 = arith.constant 0 : i32
        %dma_wait3A_223 = tpu.memref_slice %arg6[%dma_wait3A_220, %dma_wait3A_221, %dma_wait3A_222] : memref<2x816x8xf32, #tpu.memory_space<vmem>> -> memref<1x800x8xf32, #tpu.memory_space<vmem>>
        %dma_wait3A_224 = tpu.memref_squeeze %dma_wait3A_223 : memref<1x800x8xf32, #tpu.memory_space<vmem>> -> memref<800x8xf32, #tpu.memory_space<vmem>>
        %dma_wait3A_225 = arith.constant 0 : i32
        %dma_wait3A_226 = arith.constant 0 : i32
        %dma_wait3A_227 = tpu.memref_slice %arg4[%dma_wait3A_225, %dma_wait3A_226] : memref<800000x8xf32, #tpu.memory_space<hbm>> -> memref<800x8xf32, #tpu.memory_space<hbm>>
        %dma_wait3A_228 = arith.constant 0 : i32
        %dma_wait3A_229 = arith.constant 0 : i32
        %dma_wait3A_230 = tpu.memref_slice %arg4[%dma_wait3A_228, %dma_wait3A_229] : memref<800000x8xf32, #tpu.memory_space<hbm>> -> memref<800x8xf32, #tpu.memory_space<hbm>>
        %dma_wait3A_231 = arith.constant 0 : i32
        %dma_wait3A_232 = arith.constant 0 : i32
        %dma_wait3A_233 = tpu.memref_slice %arg6[%dma_wait3A_220, %dma_wait3A_231, %dma_wait3A_232] : memref<2x816x8xf32, #tpu.memory_space<vmem>> -> memref<1x800x8xf32, #tpu.memory_space<vmem>>
        %dma_wait3A_234 = tpu.memref_squeeze %dma_wait3A_233 : memref<1x800x8xf32, #tpu.memory_space<vmem>> -> memref<800x8xf32, #tpu.memory_space<vmem>>
        tpu.wait_dma2 semaphore(%arg10 : memref<!tpu.dma_semaphore, #tpu.memory_space<semaphore_mem>>) src(%dma_wait3A_234 : memref<800x8xf32, #tpu.memory_space<vmem>>) dst(%dma_wait3A_230 : memref<800x8xf32, #tpu.memory_space<hbm>>)
      } else {
      }
      %dma_start3A_169 = arith.constant 1 : i32
      %dma_start3A_170 = arith.constant 1 : i32
      %dma_start3A_171 = arith.constant 0 : i32
      %dma_start3A_172 = arith.constant 0 : i32
      %dma_start3A_173 = tpu.memref_slice %arg6[%dma_start3A_170, %dma_start3A_171, %dma_start3A_172] : memref<2x816x8xf32, #tpu.memory_space<vmem>> -> memref<1x816x8xf32, #tpu.memory_space<vmem>>
      %dma_start3A_174 = tpu.memref_squeeze %dma_start3A_173 : memref<1x816x8xf32, #tpu.memory_space<vmem>> -> memref<816x8xf32, #tpu.memory_space<vmem>>
      %dma_start3A_175 = arith.constant 0 : i32
      %dma_start3A_176 = tpu.memref_slice %arg5[%dma_start3A_169, %dma_start3A_175] : memref<2x816xi32, #tpu.memory_space<vmem>> -> memref<1x816xi32, #tpu.memory_space<vmem>>
      %dma_start3A_177 = tpu.memref_squeeze %dma_start3A_176 : memref<1x816xi32, #tpu.memory_space<vmem>> -> memref<816xi32, #tpu.memory_space<vmem>>
      %dma_start3A_178 = arith.constant 0 : i32
      %dma_start3A_179 = arith.constant 0 : i32
      %dma_start3A_180 = tpu.memref_slice %arg2[%dma_start3A_178, %dma_start3A_179] : memref<800000x8xf32, #tpu.memory_space<hbm>> -> memref<800000x8xf32, #tpu.memory_space<hbm>>
      tpu.enqueue_indirect_dma source(%dma_start3A_180 : memref<800000x8xf32, #tpu.memory_space<hbm>>) target(%dma_start3A_174 : memref<816x8xf32, #tpu.memory_space<vmem>>) offsets(%dma_start3A_177 : memref<816xi32, #tpu.memory_space<vmem>>) semaphore(%arg8 : memref<!tpu.dma_semaphore, #tpu.memory_space<semaphore_mem>>)
      %dma_wait3A_181 = arith.constant 1 : i32
      %dma_wait3A_182 = arith.constant 1 : i32
      %dma_wait3A_183 = arith.constant 0 : i32
      %dma_wait3A_184 = arith.constant 0 : i32
      %dma_wait3A_185 = tpu.memref_slice %arg6[%dma_wait3A_182, %dma_wait3A_183, %dma_wait3A_184] : memref<2x816x8xf32, #tpu.memory_space<vmem>> -> memref<1x816x8xf32, #tpu.memory_space<vmem>>
      %dma_wait3A_186 = tpu.memref_squeeze %dma_wait3A_185 : memref<1x816x8xf32, #tpu.memory_space<vmem>> -> memref<816x8xf32, #tpu.memory_space<vmem>>
      %dma_wait3A_187 = arith.constant 0 : i32
      %dma_wait3A_188 = tpu.memref_slice %arg5[%dma_wait3A_181, %dma_wait3A_187] : memref<2x816xi32, #tpu.memory_space<vmem>> -> memref<1x816xi32, #tpu.memory_space<vmem>>
      %dma_wait3A_189 = tpu.memref_squeeze %dma_wait3A_188 : memref<1x816xi32, #tpu.memory_space<vmem>> -> memref<816xi32, #tpu.memory_space<vmem>>
      %dma_wait3A_190 = arith.constant 0 : i32
      %dma_wait3A_191 = arith.constant 0 : i32
      %dma_wait3A_192 = tpu.memref_slice %arg2[%dma_wait3A_190, %dma_wait3A_191] : memref<800000x8xf32, #tpu.memory_space<hbm>> -> memref<800000x8xf32, #tpu.memory_space<hbm>>
      tpu.wait_indirect_dma semaphore(%arg8 : memref<!tpu.dma_semaphore, #tpu.memory_space<semaphore_mem>>) src(%dma_wait3A_192 : memref<800000x8xf32, #tpu.memory_space<hbm>>) dst(%dma_wait3A_186 : memref<816x8xf32, #tpu.memory_space<vmem>>)
      %mul3A_193 = arith.constant 32 : i32
      %mul3A_194 = arith.muli %add3A, %mul3A_193 : i32
      %add3A_195 = arith.addi %mul3A_194, %add3A_152 : i32
      %mul3A_196 = arith.constant 800 : i32
      %mul3A_197 = arith.muli %add3A_195, %mul3A_196 : i32
      %min3A_198 = arith.constant 799200 : i32
      %min3A_199 = arith.minsi %mul3A_197, %min3A_198 : i32
      %dma_start3A_200 = arith.constant 1 : i32
      %dma_start3A_201 = arith.constant 0 : i32
      %dma_start3A_202 = arith.constant 0 : i32
      %dma_start3A_203 = tpu.memref_slice %arg6[%dma_start3A_200, %dma_start3A_201, %dma_start3A_202] : memref<2x816x8xf32, #tpu.memory_space<vmem>> -> memref<1x800x8xf32, #tpu.memory_space<vmem>>
      %dma_start3A_204 = tpu.memref_squeeze %dma_start3A_203 : memref<1x800x8xf32, #tpu.memory_space<vmem>> -> memref<800x8xf32, #tpu.memory_space<vmem>>
      %dma_start3A_205 = arith.constant 0 : i32
      %dma_start3A_206 = tpu.memref_slice %arg4[%min3A_199, %dma_start3A_205] : memref<800000x8xf32, #tpu.memory_space<hbm>> -> memref<800x8xf32, #tpu.memory_space<hbm>>
      %dma_start3A_207 = arith.constant 0 : i32
      %dma_start3A_208 = tpu.memref_slice %arg4[%min3A_199, %dma_start3A_207] : memref<800000x8xf32, #tpu.memory_space<hbm>> -> memref<800x8xf32, #tpu.memory_space<hbm>>
      %dma_start3A_209 = arith.constant 0 : i32
      %dma_start3A_210 = arith.constant 0 : i32
      %dma_start3A_211 = tpu.memref_slice %arg6[%dma_start3A_200, %dma_start3A_209, %dma_start3A_210] : memref<2x816x8xf32, #tpu.memory_space<vmem>> -> memref<1x800x8xf32, #tpu.memory_space<vmem>>
      %dma_start3A_212 = tpu.memref_squeeze %dma_start3A_211 : memref<1x800x8xf32, #tpu.memory_space<vmem>> -> memref<800x8xf32, #tpu.memory_space<vmem>>
      tpu.enqueue_dma source(%dma_start3A_212 : memref<800x8xf32, #tpu.memory_space<vmem>>) target(%dma_start3A_208 : memref<800x8xf32, #tpu.memory_space<hbm>>) target_semaphore(%arg10 : memref<!tpu.dma_semaphore, #tpu.memory_space<semaphore_mem>>)
      %add3A_213 = arith.constant 2 : i32
      %add3A_214 = arith.addi %add3A_152, %add3A_213 : i32
      %lt3A_215 = arith.constant 32 : i32
      %lt3A_216 = arith.cmpi slt, %add3A_214, %lt3A_215 : i32
      %convert_element_type3A_217 = arith.extui %lt3A_216 : i1 to i32
      %cond3A_218 = arith.constant 0 : i32
      %cond3A_219 = arith.cmpi ne, %convert_element_type3A_217, %cond3A_218 : i32
      scf.if %cond3A_219 {
        %add3A_220 = arith.constant 2 : i32
        %add3A_221 = arith.addi %add3A_152, %add3A_220 : i32
        %mul3A_222 = arith.constant 32 : i32
        %mul3A_223 = arith.muli %add3A, %mul3A_222 : i32
        %add3A_224 = arith.addi %mul3A_223, %add3A_221 : i32
        %mul3A_225 = arith.constant 800 : i32
        %mul3A_226 = arith.muli %add3A_224, %mul3A_225 : i32
        %min3A_227 = arith.constant 799200 : i32
        %min3A_228 = arith.minsi %mul3A_226, %min3A_227 : i32
        %dma_start3A_229 = arith.constant 1 : i32
        %dma_start3A_230 = arith.constant 0 : i32
        %dma_start3A_231 = tpu.memref_slice %arg5[%dma_start3A_229, %dma_start3A_230] : memref<2x816xi32, #tpu.memory_space<vmem>> -> memref<1x800xi32, #tpu.memory_space<vmem>>
        %dma_start3A_232 = tpu.memref_squeeze %dma_start3A_231 : memref<1x800xi32, #tpu.memory_space<vmem>> -> memref<800xi32, #tpu.memory_space<vmem>>
        %dma_start3A_233 = tpu.memref_slice %arg3[%min3A_228] : memref<800000xi32, #tpu.memory_space<hbm>> -> memref<800xi32, #tpu.memory_space<hbm>>
        %dma_start3A_234 = arith.constant 0 : i32
        %dma_start3A_235 = tpu.memref_slice %arg5[%dma_start3A_229, %dma_start3A_234] : memref<2x816xi32, #tpu.memory_space<vmem>> -> memref<1x800xi32, #tpu.memory_space<vmem>>
        %dma_start3A_236 = tpu.memref_squeeze %dma_start3A_235 : memref<1x800xi32, #tpu.memory_space<vmem>> -> memref<800xi32, #tpu.memory_space<vmem>>
        %dma_start3A_237 = tpu.memref_slice %arg3[%min3A_228] : memref<800000xi32, #tpu.memory_space<hbm>> -> memref<800xi32, #tpu.memory_space<hbm>>
        tpu.enqueue_dma source(%dma_start3A_237 : memref<800xi32, #tpu.memory_space<hbm>>) target(%dma_start3A_236 : memref<800xi32, #tpu.memory_space<vmem>>) target_semaphore(%arg8 : memref<!tpu.dma_semaphore, #tpu.memory_space<semaphore_mem>>)
      } else {
      }
    }
    %scan3A_51 = arith.constant 16 : i32
    %dma_wait3A = arith.constant 0 : i32
    %dma_wait3A_52 = arith.constant 0 : i32
    %dma_wait3A_53 = arith.constant 0 : i32
    %dma_wait3A_54 = tpu.memref_slice %arg6[%dma_wait3A, %dma_wait3A_52, %dma_wait3A_53] : memref<2x816x8xf32, #tpu.memory_space<vmem>> -> memref<1x800x8xf32, #tpu.memory_space<vmem>>
    %dma_wait3A_55 = tpu.memref_squeeze %dma_wait3A_54 : memref<1x800x8xf32, #tpu.memory_space<vmem>> -> memref<800x8xf32, #tpu.memory_space<vmem>>
    %dma_wait3A_56 = arith.constant 0 : i32
    %dma_wait3A_57 = arith.constant 0 : i32
    %dma_wait3A_58 = tpu.memref_slice %arg4[%dma_wait3A_56, %dma_wait3A_57] : memref<800000x8xf32, #tpu.memory_space<hbm>> -> memref<800x8xf32, #tpu.memory_space<hbm>>
    %dma_wait3A_59 = arith.constant 0 : i32
    %dma_wait3A_60 = arith.constant 0 : i32
    %dma_wait3A_61 = tpu.memref_slice %arg4[%dma_wait3A_59, %dma_wait3A_60] : memref<800000x8xf32, #tpu.memory_space<hbm>> -> memref<800x8xf32, #tpu.memory_space<hbm>>
    %dma_wait3A_62 = arith.constant 0 : i32
    %dma_wait3A_63 = arith.constant 0 : i32
    %dma_wait3A_64 = tpu.memref_slice %arg6[%dma_wait3A, %dma_wait3A_62, %dma_wait3A_63] : memref<2x816x8xf32, #tpu.memory_space<vmem>> -> memref<1x800x8xf32, #tpu.memory_space<vmem>>
    %dma_wait3A_65 = tpu.memref_squeeze %dma_wait3A_64 : memref<1x800x8xf32, #tpu.memory_space<vmem>> -> memref<800x8xf32, #tpu.memory_space<vmem>>
    tpu.wait_dma2 semaphore(%arg9 : memref<!tpu.dma_semaphore, #tpu.memory_space<semaphore_mem>>) src(%dma_wait3A_65 : memref<800x8xf32, #tpu.memory_space<vmem>>) dst(%dma_wait3A_61 : memref<800x8xf32, #tpu.memory_space<hbm>>)
    %dma_wait3A_66 = arith.constant 1 : i32
    %dma_wait3A_67 = arith.constant 0 : i32
    %dma_wait3A_68 = arith.constant 0 : i32
    %dma_wait3A_69 = tpu.memref_slice %arg6[%dma_wait3A_66, %dma_wait3A_67, %dma_wait3A_68] : memref<2x816x8xf32, #tpu.memory_space<vmem>> -> memref<1x800x8xf32, #tpu.memory_space<vmem>>
    %dma_wait3A_70 = tpu.memref_squeeze %dma_wait3A_69 : memref<1x800x8xf32, #tpu.memory_space<vmem>> -> memref<800x8xf32, #tpu.memory_space<vmem>>
    %dma_wait3A_71 = arith.constant 0 : i32
    %dma_wait3A_72 = arith.constant 0 : i32
    %dma_wait3A_73 = tpu.memref_slice %arg4[%dma_wait3A_71, %dma_wait3A_72] : memref<800000x8xf32, #tpu.memory_space<hbm>> -> memref<800x8xf32, #tpu.memory_space<hbm>>
    %dma_wait3A_74 = arith.constant 0 : i32
    %dma_wait3A_75 = arith.constant 0 : i32
    %dma_wait3A_76 = tpu.memref_slice %arg4[%dma_wait3A_74, %dma_wait3A_75] : memref<800000x8xf32, #tpu.memory_space<hbm>> -> memref<800x8xf32, #tpu.memory_space<hbm>>
    %dma_wait3A_77 = arith.constant 0 : i32
    %dma_wait3A_78 = arith.constant 0 : i32
    %dma_wait3A_79 = tpu.memref_slice %arg6[%dma_wait3A_66, %dma_wait3A_77, %dma_wait3A_78] : memref<2x816x8xf32, #tpu.memory_space<vmem>> -> memref<1x800x8xf32, #tpu.memory_space<vmem>>
    %dma_wait3A_80 = tpu.memref_squeeze %dma_wait3A_79 : memref<1x800x8xf32, #tpu.memory_space<vmem>> -> memref<800x8xf32, #tpu.memory_space<vmem>>
    tpu.wait_dma2 semaphore(%arg10 : memref<!tpu.dma_semaphore, #tpu.memory_space<semaphore_mem>>) src(%dma_wait3A_80 : memref<800x8xf32, #tpu.memory_space<vmem>>) dst(%dma_wait3A_76 : memref<800x8xf32, #tpu.memory_space<hbm>>)
    return
  }
}

</mosaic_0001>

<sc_bundles>
// kernel: _sc_gather.3.cloned.1.call-start
scs
__scs_entry_jumppad:
0x0: {  	(pc) =	sbr.rel $0x88, $3  }
0x1: {  	(tag) =	ssettag $0x0;
	lr =	simm.s32 $0x1  }
0x2: {  	[smem:$0x3F9F] =	sst lr;
	_ =	strace $0xD0000000  }
0x3: {  	_ = 	snop  }
0x4: {  	_ = 	snop  }
0x5: {  	_ = 	snop  }
0x6: {  	_ = 	snop  }
0x7: {  	_ = 	snop  }
__scs_overlays_trampoline_lowered:
0x8: {  	[smem:$0x3FAE] =	sst s0  }
0x9: {  	[smem:$0x3FAF] =	sst s1  }
0xa: {  	[smem:$0x3FB0] =	sst s2  }
0xb: {  	[smem:$0x3FB1] =	sst s3  }
0xc: {  	[smem:$0x3FB2] =	sst s4  }
0xd: {  	[smem:$0x3FB3] =	sst s5  }
0xe: {  	[smem:$0x3FB4] =	sst s6  }
0xf: {  	[smem:$0x3FB5] =	sst s7  }
0x10: {  	[smem:$0x3FB6] =	sst s8  }
0x11: {  	[smem:$0x3FB7] =	sst s9;
	s0 =	simm.s32 @!p0 $0x0  }
0x12: {  	s1 =	sld [smem:$0x3F9D];
	s0 =	simm.s32 @p0 $0x1  }
0x13: {  	[smem:$0x3FB8] =	sst s0;
	s0 =	simm.s32 @!p1 $0x0  }
0x14: {  	s2 =	sld [smem:$0x3F9C];
	s0 =	simm.s32 @p1 $0x1  }
0x15: {  	[smem:$0x3FB9] =	sst s0;
	s0 =	simm.s32 @!p2 $0x0  }
0x16: {  	s3 =	sld [smem:$0x3FDB];
	s0 =	simm.s32 @p2 $0x1  }
0x17: {  	s4 =	simm.s32 $0x1BF5;
	[smem:$0x3FBB] =	sst s0  }
0x18: {  	s0 =	sld [smem:$0x3F9E];
	_ =	swait.ge [sflag:s4], $0x0  }
0x19: {  	s7 =	sld [smem:$0x3F9F]  }
0x1a: {  	s8 =	sadd.s32 $0xFFFFE003, lr  }
0x1b: {  	s9 =	sadd.s32 $0xFFFFFEF7, lr;
	s5 =	simm.s32 $0xFFFFFFFF;
	p2 =	slt.u32 s8, $0xFFFFF086  }
0x1c: {  	p1 =	slt.u32 s9, $0xF7A;
	s5 =	simm.s32 @!p2 $0x0  }
0x1d: {  	s5 =	simm.s32 @p1 $0x1;
	p0 =	seq.s32 s7, s2  }
0x1e: {  	s7 =	smul.u32 @!p0 $0xF7A, s2;
	p2 =	seq.s32 @!p0 s5, $0x0  }
0x1f: {  	s9 =	smul.u32 $0xF7A, s1;
	s8 =	simm.s32 @!p0 $0x1BF5;
	p2 =	por !p2, p0  }
0x20: {  	[sflag:s8] =	ssyncset.s32 @!p0 $0xFFFFF086;
	s6 =	sadd.s32 @!p0 s3, s7;
	s7 =	simm.s32 @!p0 $0x108  }
0x21: {  	s3 =	sadd.s32 s3, s9;
	s6 =	sadd.s32 @!p0 $0x88, s6;
	s7 =	simm.s32 @p2 $0x1082  }
0x22: {  	[simem:s7], [sflag:s8] =	dma.local @!p0 [hbm:s6], $0xF7A  }
0x23: {  	s9 =	sor.u32 $0xD0000000, s2;
	s6 =	simm.s32 $0x108;
	_ =	swait.ge @!p0 [sflag:s8], $0x0  }
0x24: {  	s3 =	sadd.s32 $0x88, s3;
	s6 =	simm.s32 @!p1 $0x1082;
	[sflag:s4] =	ssyncset.s32 $0xFFFFF086  }
0x25: {  	[simem:s6], [sflag:s4] =	dma.local [hbm:s3], $0xF7A  }
0x26: {  	[smem:$0x3F9F] =	sst s1;
	(tag) =	ssettag s2;
	_ =	strace s9  }
0x27: {  	s1 =	sld [smem:$0x3FAF]  }
0x28: {  	s2 =	sld [smem:$0x3FB0]  }
0x29: {  	s4 =	sld [smem:$0x3FB2]  }
0x2a: {  	p0 =	seq.s32 s5, $0x0;
	s5 =	sld [smem:$0x3FB3]  }
0x2b: {  	s6 =	sld [smem:$0x3FB4]  }
0x2c: {  	s7 =	sld [smem:$0x3FB5]  }
0x2d: {  	s3 =	simm.s32 $0x108;
	s8 =	sld [smem:$0x3FB6]  }
0x2e: {  	s3 =	simm.s32 @!p0 $0x1082;
	s9 =	sld [smem:$0x3FB7]  }
0x2f: {  	lr =	sadd.s32 s0, s3;
	s0 =	sld [smem:$0x3FAE]  }
0x30: {  	s3 =	sld [smem:$0x3FB1]  }
0x31: {  	[smem:$0x3FBA] =	sst s10  }
0x32: {  	s10 =	sld [smem:$0x3FB8];
	_ =	sdelay $0x3  }
0x33: {  	p0 =	seq.s32 s10, $0x1;
	s10 =	sld [smem:$0x3FBA];
	_ =	sdelay $0x3  }
0x34: {  	[smem:$0x3FBA] =	sst s10  }
0x35: {  	s10 =	sld [smem:$0x3FB9];
	_ =	sdelay $0x3  }
0x36: {  	p1 =	seq.s32 s10, $0x1;
	s10 =	sld [smem:$0x3FBA];
	_ =	sdelay $0x3  }
0x37: {  	[smem:$0x3FBA] =	sst s10  }
0x38: {  	s10 =	sld [smem:$0x3FBB]  }
0x39: {  	_ = 	snop;
	(pc) =	sbr.ind lr, $3  }
0x3a: {  	_ = 	snop  }
0x3b: {  	_ = 	snop  }
0x3c: {  	p2 =	seq.s32 s10, $0x1;
	s10 =	sld [smem:$0x3FBA]  }
0x3d: {  	_ =	shalt  }
0x3e: {  	_ =	shalt  }
0x3f: {  	_ =	shalt  }
0x40: {  	_ =	shalt  }
0x41: {  	_ =	shalt  }
0x42: {  	_ =	shalt  }
0x43: {  	_ =	shalt  }
0x44: {  	_ =	shalt  }
0x45: {  	_ =	shalt  }
0x46: {  	_ =	shalt  }
0x47: {  	_ =	shalt  }
0x48: {  	_ =	shalt  }
0x49: {  	_ =	shalt  }
0x4a: {  	_ =	shalt  }
0x4b: {  	_ =	shalt  }
0x4c: {  	_ =	shalt  }
0x4d: {  	_ =	shalt  }
0x4e: {  	_ =	shalt  }
0x4f: {  	_ =	shalt  }
0x50: {  	_ =	shalt  }
0x51: {  	_ =	shalt  }
0x52: {  	_ =	shalt  }
0x53: {  	_ =	shalt  }
0x54: {  	_ =	shalt  }
0x55: {  	_ =	shalt  }
0x56: {  	_ =	shalt  }
0x57: {  	_ =	shalt  }
0x58: {  	_ =	shalt  }
0x59: {  	_ =	shalt  }
0x5a: {  	_ =	shalt  }
0x5b: {  	_ =	shalt  }
0x5c: {  	_ =	shalt  }
0x5d: {  	_ =	shalt  }
0x5e: {  	_ =	shalt  }
0x5f: {  	_ =	shalt  }
0x60: {  	_ =	shalt  }
0x61: {  	_ =	shalt  }
0x62: {  	_ =	shalt  }
0x63: {  	_ =	shalt  }
0x64: {  	_ =	shalt  }
0x65: {  	_ =	shalt  }
0x66: {  	_ =	shalt  }
0x67: {  	_ =	shalt  }
0x68: {  	_ =	shalt  }
0x69: {  	_ =	shalt  }
0x6a: {  	_ =	shalt  }
0x6b: {  	_ =	shalt  }
0x6c: {  	_ =	shalt  }
0x6d: {  	_ =	shalt  }
0x6e: {  	_ =	shalt  }
0x6f: {  	_ =	shalt  }
0x70: {  	_ =	shalt  }
0x71: {  	_ =	shalt  }
0x72: {  	_ =	shalt  }
0x73: {  	_ =	shalt  }
0x74: {  	_ =	shalt  }
0x75: {  	_ =	shalt  }
0x76: {  	_ =	shalt  }
0x77: {  	_ =	shalt  }
0x78: {  	_ =	shalt  }
0x79: {  	_ =	shalt  }
0x7a: {  	_ =	shalt  }
0x7b: {  	_ =	shalt  }
0x7c: {  	_ =	shalt  }
0x7d: {  	_ =	shalt  }
0x7e: {  	_ =	shalt  }
0x7f: {  	_ =	shalt  }
0x80: {  	_ =	shalt  }
0x81: {  	_ =	shalt  }
0x82: {  	_ =	shalt  }
0x83: {  	_ =	shalt  }
0x84: {  	_ =	shalt  }
0x85: {  	_ =	shalt  }
0x86: {  	_ =	shalt  }
0x87: {  	_ =	shalt  }
.Lfunc_end0:
.L_simem_size_0:
called_computation_lowered:
.L_overlay_start_0:
0x88: {  	s2 =	sld [smem:$0x3FD9]  }
0x89: {  	s3 =	sld [smem:$0x3FFE];
	_ =	sdelay $0x1  }
0x8a: {  	s1 =	srdreg.scid  }
0x8b: {  	s0 =	sand.u32 $0x1, s1  }
0x8c: {  	s17 =	sshll.u32 s0, $0xA;
	s2 =	sadd.s32 s3, s2  }
0x8d: {  	s2 =	sadd.s32 s2, s17  }
0x8e: {  	[smem:$0x3FC6] =	sst s2  }
0x8f: {  	_ = 	snop  }
0x90: {  	s2 =	sld [smem:$0x3FC8]  }
0x91: {  	s18 =	sld [smem:$0x3FD0];
	(tm) =	ssettm $0x1  }
0x92: {  	s4 =	sld [smem:$0x3FFB];
	_ =	sdelay $0x3  }
0x93: {  	_ =	strace s4  }
0x94: {  	s4 =	sld [smem:$0x3FFC];
	_ =	sdelay $0x3  }
0x95: {  	_ =	strace s4  }
0x96: {  	s4 =	sld [smem:$0x3FFD];
	_ =	sdelay $0x3  }
0x97: {  	_ =	strace s4  }
0x98: {  	_ =	strace $0x8FFFFFFF  }
0x99: {  	s19 =	sld [smem:$0x3FDB];
	_ =	sdelay $0x1  }
0x9a: {  	s5 =	simm.s32 $_scs_section_size  }
0x9b: {  	s6 =	simm.s32 $_size__tile_overlayer_lowered;
	s7 =	simm.s32 $_tile_overlayer_lowered  }
0x9c: {  	s22 =	simm.s32 $0x1BFF;
	s21 =	sshll.u32 s7, $0x1;
	s4 =	sadd.s32 s5, s19  }
0x9d: {  	s8 =	simm.s32 $0x0;
	s20 =	sshll.u32 s6, $0x1;
	s6 =	sadd.s32 s21, s4  }
0x9e: {  	[timem:s8], [sflag:s22] =	dma.local [hbm:s6], s20  }
0x9f: {  	_ =	swait.ge [sflag:s22], s20  }
0xa0: {  	s5 =	ssub.s32 $0x0, s20;
	[sflag:s22] =	ssyncset.done $0x0  }
0xa1: {  	[sflag:s22] =	ssyncadd.s32 s5;
	_ =	sdelay $0x1  }
0xa2: {  	s23 =	simm.s32 $0x1B8B  }
0xa3: {  	_ =	swait.ge [sflag:s23], $0x1  }
0xa4: {  	[sflag:s23] =	ssyncset.done $0x0  }
0xa5: {  	s25 =	simm.s32 $0x1B8E;
	s24 =	sld [smem:$0x3FFE];
	[sflag:s23] =	ssyncadd.s32 $0xFFFFFFFF  }
0xa6: {  	s26 =	simm.s32 $execute0_lowered;
	[smem:$0x3FD2] =	sst s25  }
0xa7: {  	s6 =	sshll.u32 s26, $0x1;
	_ =	strace $0x80000046;
	[dreg:$0x1] =	wrdreg $0xFFFFFFFF  }
0xa8: {  	s28 =	simm.s32 $_size_execute0_lowered;
	s4 =	sadd.s32 s4, s6;
	[dreg:$0x0] =	wrdreg $0x0  }
0xa9: {  	s6 =	sshll.u32 s28, $0x1;
	[dreg:$0x2] =	wrdreg s4  }
0xaa: {  	[dreg:$0x3] =	wrdreg s6  }
0xab: {  	[dreg:$0x4] =	wrdreg $0xC0  }
0xac: {  	_ =	task [dreg:s8], $0x5FFFF  }
0xad: {  	[dreg:$0x1] =	wrdreg $0xFFFFFFFF  }
0xae: {  	[dreg:$0x0] =	wrdreg $0x60  }
0xaf: {  	[dreg:$0x2] =	wrdreg s18  }
0xb0: {  	[dreg:$0x3] =	wrdreg s2  }
0xb1: {  	[dreg:$0x4] =	wrdreg s24  }
0xb2: {  	[dreg:$0x5] =	wrdreg $0x9  }
0xb3: {  	_ =	task.clear_ibuf [dreg:s8], $0x6FFFF;
	_ =	strace $0x90000046  }
0xb4: {  	s29 =	simm.s32 $0x9;
	_ =	strace $0x80000048  }
0xb5: {  	_ =	swait.ge [sflag:s29], $0x1  }
0xb6: {  	[sflag:s29] =	ssyncadd.s32 $0xFFFFFFFF  }
0xb7: {  	_ =	strace $0x90000048  }
0xb8: {  	_ =	sfence  }
0xb9: {  	s30 =	sld [smem:$0x0];
	_ =	sdelay $0x2  }
0xba: {  	s31 =	sshll.u32 s1, $0xD;
	s1 =	sshrl.u32 s1, $0x2  }
0xbb: {  	s3 =	sand.u32 $0x4000, s31;
	s1 =	sadd.s32 s1, s30  }
0xbc: {  	s0 =	sor.u32 s3, s0;
	s1 =	sshll.u32 s1, $0x11  }
0xbd: {  	s0 =	sor.u32 s1, s0  }
0xbe: {  	s0 =	sadd.s32 $0x8F2B, s0  }
0xbf: {  	[sflag:s0] =	ssyncadd.remote.s32 $0x1  }
0xc0: {  	_ =	sfence.sel $0xFFFF  }
0xc1: {  	[dreg:$0x0] =	wrdreg $0xFFFFFFFF;
	(pc) =	sbr.abs _section_cstart, $3  }
0xc2: {  	[dreg:$0x1] =	wrdreg $0xFFFFFFFF  }
0xc3: {  	_ =	task.clear_ibuf [dreg:s8], $0x2FFFF;
	_ =	strace $0x9FFFFFFF  }
0xc4: {  	(tm) =	ssettm $0x7FFFFFFF  }
0xc5: {  	_ =	shalt  }
tec
execute0_lowered:
.L_overlay_start_1:
0x0: {  	(tag) =	ssettag $0x1  }
0x1: {  	s1 =	rddreg [dreg:$0x0]  }
0x2: {  	s3 =	rddreg [dreg:$0x1]  }
0x3: {  	s2 =	srdreg.scid;
	s0 =	stileid.u32  }
0x4: {  	s5 =	rddreg [dreg:$0x2];
	s4 =	simm.s32 $0x0;
	s16 =	simm.s32 $0x660  }
0x5: {  	s17 =	simm.s32 $0x2;
	s18 =	simm.s32 $0x1FE0;
	s19 =	simm.s32 $0x3  }
0x6: {  	s20 =	simm.s32 $0x4;
	s10 =	sand.u32 $0x1, s2;
	s2 =	rddreg [dreg:$0x3]  }
0x7: {  	s21 =	simm.s32 $0x0;
	s6 =	sshll.u32 s0, $0x1;
	[smem:$0x7FF] =	sst s4  }
0x8: {  	s5 =	sadd.s32 $0x400, s5;
	s30 =	smul.u32 $0xC800, s0;
	s6 =	sor.u32 s10, s6  }
0x9: {  	_ =	strace $0x80000047;
	s7 =	ssub.s32 $0x2, s10;
	s31 =	smul.u32 $0x6400, s10  }
0xa: {  	s11 =	smul.u32 $0x6400, s6;
	s8 =	sshll.u32 s6, $0x5;
	s12 =	sshrl.u32 s7, $0x1  }
0xb: {  	s9 =	sor.u32 $0x2, s8;
	s12 =	ssub.s32 s7, s12;
	s8 =	sor.u32 $0x3, s8  }
0xc: {  	s26 =	sshrl.u32 s11, $0x3;
	s9 =	smul.u32 $0x320, s9;
	s13 =	smin.u32 s11, $0xC31E0  }
0xd: {  	s15 =	smul.u32 $0x320, s8;
	s8 =	smax.u32 s12, $0x1;
	s11 =	sor.u32 $0x320, s11  }
.Ltmp0:
0xe: {  	s6 =	sadd.s32 s3, s26;
	s11 =	smin.u32 s11, $0xC31E0;
	(pc) =	sbr.rel .LBB2_1-.Ltmp0, $4  }
0xf: {  	s7 =	sadd.s32 $0x64, s6;
	s14 =	smin.u32 s9, $0xC31E0;
	s9 =	sadd.s32 s5, s13  }
0x10: {  	s29 =	smin.u32 s15, $0xC31E0;
	s11 =	sadd.s32 s5, s11;
	s15 =	simm.s32 $0x1  }
0x11: {  	s28 =	sshrl.u32 s14, $0x3;
	s13 =	sshrl.u32 s29, $0x3;
	s14 =	simm.s32 $0x330  }
0x12: {  	v0 =	vimm.s32 $0x0;
	s10 =	sadd.s32 s3, s28;
	s12 =	sadd.s32 s3, s13;
	s13 =	sadd.s32 s31, s30  }
.LBB2_4:
0x13: {  	s21 =	sadd.s32 $0x1, s21  }
0x14: {  	_ =	swait.ge [sflag:s19], $0x1900;
	p0 =	sne.s32 s21, s8  }
.Ltmp1:
0x15: {  	[sflag:s19] =	ssyncset.done $0x0;
	(pc) =	sbr.rel @!p0 .LBB2_5-.Ltmp1, $4  }
0x16: {  	[sflag:s19] =	ssyncadd.s32 $0xFFFFE700  }
0x17: {  	_ =	swait.ge [sflag:s20], $0x1900  }
0x18: {  	[sflag:s20] =	ssyncset.done $0x0  }
0x19: {  	[sflag:s20] =	ssyncadd.s32 $0xFFFFE700  }
.LBB2_1:
0x1a: {  	[tilespmem:$0x320] =	vst v0  }
0x1b: {  	[tilespmem:$0x650] =	vst v0  }
0x1c: {  	[tilespmem:s4], [sflag:$0x1] =	stream.linear.gather [hbm4b:s6+s4], $0x320, $0x38;
	[tilespmem:$0x3960] =	vst v63  }
0x1d: {  	_ = 	snop  }
0x1e: {  	[tilespmem:s14], [sflag:$0x2] =	stream.linear.gather [hbm4b:s7+s4], $0x320, $0x38;
	[tilespmem:$0x3960] =	vst v63  }
0x1f: {  	_ =	swait.ge [sflag:s15], $0x320  }
0x20: {  	[sflag:s15] =	ssyncset.done $0x0  }
0x21: {  	[sflag:s15] =	ssyncadd.s32 $0xFFFFFCE0  }
0x22: {  	[tilespmem:s16], [sflag:$0x1] =	stream.indirect.gather [hbm4b:s1+s14], $0x8, s4, s14, $0xb8;
	[tilespmem:$0x3960] =	vst v63  }
0x23: {  	_ =	swait.ge [sflag:s15], $0x1980  }
0x24: {  	[sflag:s15] =	ssyncset.done $0x0  }
0x25: {  	[sflag:s15] =	ssyncadd.s32 $0xFFFFE680  }
0x26: {  	[hbm4b:s9+s4] =	stream.linear.scatter [tilespmem:s16], [sflag:$0x3], $0x1900, $0x38;
	[tilespmem:$0x3960] =	vst v63  }
0x27: {  	_ = 	snop  }
0x28: {  	[tilespmem:s4], [sflag:$0x1] =	stream.linear.gather [hbm4b:s10+s4], $0x320, $0x38;
	[tilespmem:$0x3960] =	vst v63  }
0x29: {  	_ =	swait.ge [sflag:s17], $0x320  }
0x2a: {  	[sflag:s17] =	ssyncset.done $0x0  }
0x2b: {  	[sflag:s17] =	ssyncadd.s32 $0xFFFFFCE0  }
0x2c: {  	[tilespmem:s18], [sflag:$0x2] =	stream.indirect.gather [hbm4b:s1+s14], $0x8, s14, s14, $0xb8;
	[tilespmem:$0x3960] =	vst v63  }
0x2d: {  	_ =	swait.ge [sflag:s17], $0x1980  }
0x2e: {  	[sflag:s17] =	ssyncset.done $0x0  }
0x2f: {  	[sflag:s17] =	ssyncadd.s32 $0xFFFFE680  }
0x30: {  	[hbm4b:s11+s4] =	stream.linear.scatter [tilespmem:s18], [sflag:$0x4], $0x1900, $0x38;
	[tilespmem:$0x3960] =	vst v63  }
0x31: {  	s22 =	simm.s32 $0xFFFFA880  }
0x32: {  	[tilespmem:s14], [sflag:$0x2] =	stream.linear.gather [hbm4b:s12+s4], $0x320, $0x38;
	[tilespmem:$0x3960] =	vst v63  }
.LBB2_2:
0x33: {  	_ =	swait.ge [sflag:s15], $0x320  }
0x34: {  	[sflag:s15] =	ssyncset.done $0x0  }
0x35: {  	[sflag:s15] =	ssyncadd.s32 $0xFFFFFCE0  }
0x36: {  	_ =	swait.ge [sflag:s19], $0x1900  }
0x37: {  	[sflag:s19] =	ssyncset.done $0x0  }
0x38: {  	s23 =	sadd.s32 s22, s13;
	[sflag:s19] =	ssyncadd.s32 $0xFFFFE700  }
0x39: {  	[tilespmem:s16], [sflag:$0x1] =	stream.indirect.gather [hbm4b:s1+s14], $0x8, s4, s14, $0xb8;
	[tilespmem:$0x3960] =	vst v63  }
0x3a: {  	s24 =	sadd.s32 $0x5DC0, s23;
	_ =	swait.ge [sflag:s15], $0x1980  }
0x3b: {  	s24 =	smin.u32 s24, $0xC31E0;
	[sflag:s15] =	ssyncset.done $0x0  }
0x3c: {  	p0 =	seq.s32 s22, $0x0;
	s24 =	sadd.s32 s5, s24;
	[sflag:s15] =	ssyncadd.s32 $0xFFFFE680  }
0x3d: {  	[hbm4b:s24+s4] =	stream.linear.scatter [tilespmem:s16], [sflag:$0x3], $0x1900, $0x38;
	[tilespmem:$0x3960] =	vst v63  }
0x3e: {  	s24 =	sadd.s32 @!p0 s22, s13  }
0x3f: {  	s24 =	sadd.s32 @!p0 $0x6400, s24  }
0x40: {  	s24 =	smin.u32 @!p0 s24, $0xC31E0  }
0x41: {  	s24 =	sshrl.u32 @!p0 s24, $0x3  }
0x42: {  	s25 =	simm.s32 @!p0 $0x0;
	s24 =	sadd.s32 @!p0 s3, s24  }
0x43: {  	[tilespmem:s25], [sflag:$0x1] =	stream.linear.gather @!p0 [hbm4b:s24+s25], $0x320, $0x38;
	[tilespmem:$0x3960] =	vst v63  }
0x44: {  	_ =	swait.ge [sflag:s17], $0x320  }
0x45: {  	[sflag:s17] =	ssyncset.done $0x0  }
0x46: {  	[sflag:s17] =	ssyncadd.s32 $0xFFFFFCE0  }
0x47: {  	_ =	swait.ge [sflag:s20], $0x1900  }
0x48: {  	[sflag:s20] =	ssyncset.done $0x0  }
0x49: {  	[sflag:s20] =	ssyncadd.s32 $0xFFFFE700  }
0x4a: {  	[tilespmem:s18], [sflag:$0x2] =	stream.indirect.gather [hbm4b:s1+s14], $0x8, s14, s14, $0xb8;
	[tilespmem:$0x3960] =	vst v63  }
.Ltmp2:
0x4b: {  	_ = 	snop;
	(pc) =	sbr.rel @p0 .LBB2_4-.Ltmp2, $4  }
0x4c: {  	s31 =	sadd.s32 $0x60E0, s23;
	_ =	swait.ge [sflag:s17], $0x1980  }
0x4d: {  	s24 =	smin.u32 s31, $0xC31E0;
	[sflag:s17] =	ssyncset.done $0x0  }
0x4e: {  	s24 =	sadd.s32 s5, s24;
	[sflag:s17] =	ssyncadd.s32 $0xFFFFE680  }
0x4f: {  	[hbm4b:s24+s4] =	stream.linear.scatter [tilespmem:s18], [sflag:$0x4], $0x1900, $0x38;
	[tilespmem:$0x3960] =	vst v63  }
.Ltmp3:
0x50: {  	s23 =	sadd.s32 $0x6720, s23;
	(pc) =	sbr.rel .LBB2_2-.Ltmp3, $4  }
0x51: {  	s23 =	smin.u32 s23, $0xC31E0  }
0x52: {  	s23 =	sshrl.u32 s23, $0x3  }
0x53: {  	s22 =	sadd.s32 $0x640, s22;
	s23 =	sadd.s32 s3, s23  }
0x54: {  	[tilespmem:s14], [sflag:$0x2] =	stream.linear.gather [hbm4b:s23+s4], $0x320, $0x38;
	[tilespmem:$0x3960] =	vst v63  }
.LBB2_5:
0x55: {  	_ =	sfence.sel $0x180000  }
0x56: {  	[bflag:$0x0] =	sbarrier.arrive $0xFFFF  }
0x57: {  	p0 =	sne.s32 s0, $0x0;
	_ =	strace $0x90000047  }
0x58: {  	s0 =	sadd.s32 @!p0 $0x100000, s2;
	[bflag:$0x2] =	sbarrier.arrive $0xFFFF  }
0x59: {  	[sflag:s0] =	ssyncadd.tile.s32 @!p0 $0x1;
	_ =	shalt  }
.Lfunc_end2:
_tile_overlayer_lowered:
.L_overlay_start_2:
0x5a: {  	(tag) =	ssettag $0x2  }
0x5b: {  	s0 =	rddreg [dreg:$0x0];
	s2 =	stileid.u32  }
0x5c: {  	s1 =	rddreg [dreg:$0x1];
	p0 =	sne.s32 s2, $0x0  }
0x5d: {  	s3 =	rddreg [dreg:$0x2];
	[bflag:$0x3] =	sbarrier.arrive $0xFFFF;
	s2 =	simm.s32 @!p0 $0x1C05  }
0x5e: {  	[timem:s3], [sflag:s2] =	dma.local @!p0 [hbm:s0], s1  }
0x5f: {  	s0 =	simm.s32 @!p0 $0x5  }
0x60: {  	_ =	swait.ge @!p0 [sflag:s0], s1  }
0x61: {  	s1 =	ssub.s32 @!p0 $0x0, s1;
	[sflag:s0] =	ssyncset.done @!p0 $0x0  }
0x62: {  	[sflag:s0] =	ssyncadd.s32 @!p0 s1  }
0x63: {  	[bflag:$0x3] =	sbarrier.arrive $0xFFFF  }
0x64: {  	_ =	shalt  }

</sc_bundles>
